<compile_context>
chip_gen: v7x
topology: tpu7x:2x2x1
jax: 0.10.2.dev20260603
libtpu: 0.0.44.dev20260713+nightly
codegen_flags: <defaults>
</compile_context>

<pallas_src>
import functools

import jax
import jax.numpy as jnp
from jax import lax
from jax.experimental import pallas as pl
from jax.experimental.pallas import tpu as pltpu
from jax.experimental.pallas import tpu_sc as plsc

CTX = 200
PATH = 20
EMBED = 64
LANES = 16
NVREG = EMBED // LANES
CTX_PAD = 272
PATH_PAD = 32
PATH_IDX_PAD = 48
NW = 32
CPW = 7

_mesh = plsc.VectorSubcoreMesh(core_axis_name="c", subcore_axis_name="s")


@functools.partial(
    pl.kernel,
    out_type=(
        jax.ShapeDtypeStruct((NW, EMBED), jnp.float32),
        jax.ShapeDtypeStruct((PATH_PAD, EMBED), jnp.float32),
    ),
    mesh=_mesh,
    scratch_types=[
        pltpu.VMEM((CTX_PAD,), jnp.int32),
        pltpu.VMEM((PATH_IDX_PAD,), jnp.int32),
        pltpu.VMEM((CPW, EMBED), jnp.float32),
        pltpu.VMEM((1, EMBED), jnp.float32),
        pltpu.VMEM((1, EMBED), jnp.float32),
        pltpu.SemaphoreType.DMA,
        pltpu.SemaphoreType.DMA,
    ],
)
def _sc_gather_pool(ctx_idx_hbm, path_idx_hbm, ctx_table_hbm, node_table_hbm,
                    part_hbm, nrows_hbm, idx_v, pidx_v, rows_v, acc_v, nrow_v,
                    sem, nsem):
    wid = lax.axis_index("s") * _mesh.num_cores + lax.axis_index("c")

    pltpu.sync_copy(ctx_idx_hbm, idx_v)
    pltpu.sync_copy(path_idx_hbm, pidx_v)

    nidx = pidx_v[pl.ds(wid, LANES)][0]
    cn = pltpu.async_copy(node_table_hbm.at[pl.ds(nidx, 1)], nrow_v, nsem)

    base = wid * CPW

    def issue(i, n):
        @pl.when(base + i < CTX)
        def _():
            cidx = idx_v[pl.ds(base + i, LANES)][0]
            pltpu.async_copy(ctx_table_hbm.at[pl.ds(cidx, 1)],
                             rows_v.at[pl.ds(i, 1)], sem)
        return n + jnp.where(base + i < CTX, 1, 0)

    ndma = lax.fori_loop(0, CPW, issue, 0)

    def drain(i, _):
        pltpu.make_async_copy(ctx_table_hbm.at[pl.ds(0, 1)],
                              rows_v.at[pl.ds(0, 1)], sem).wait()
        return 0

    lax.fori_loop(0, ndma, drain, 0)
    cn.wait()

    def pool(i, acc):
        take = base + i < CTX
        out = []
        for k in range(NVREG):
            v = rows_v[i, pl.ds(LANES * k, LANES)]
            out.append(acc[k] + jnp.where(take, v, 0.0))
        return tuple(out)

    acc = tuple(jnp.zeros((LANES,), jnp.float32) for _ in range(NVREG))
    acc = lax.fori_loop(0, CPW, pool, acc)
    for k in range(NVREG):
        acc_v[0, pl.ds(LANES * k, LANES)] = acc[k]

    pltpu.sync_copy(acc_v, part_hbm.at[pl.ds(wid, 1)])
    pltpu.sync_copy(nrow_v, nrows_hbm.at[pl.ds(wid, 1)])


def _loss_body(part_ref, n_ref, bits_ref, o_ref):
    h = (jnp.sum(part_ref[...], axis=0, keepdims=True) * (1.0 / CTX))
    n = n_ref[...]
    b = bits_ref[...]
    t = jnp.sum(n * h, axis=1, keepdims=True)
    s = jax.nn.sigmoid(t)
    eps = 1e-9
    per = -b * jnp.log(s + eps) - (1.0 - b) * jnp.log(1.0 - s + eps)
    row = lax.broadcasted_iota(jnp.int32, (PATH_PAD, 1), 0)
    per = jnp.where(row < PATH, per, 0.0)
    o_ref[0, 0] = jnp.sum(per)


_loss_call = pl.pallas_call(
    _loss_body,
    out_shape=jax.ShapeDtypeStruct((1, 1), jnp.float32),
    out_specs=pl.BlockSpec(memory_space=pltpu.SMEM),
)


def kernel(context_idx, path_indices, code_bits, context_table, node_table):
    ctx = jnp.asarray(context_idx, jnp.int32)
    pidx = jnp.asarray(path_indices, jnp.int32)
    ctx_pad = jnp.zeros((CTX_PAD,), jnp.int32).at[:CTX].set(ctx)
    path_pad = jnp.zeros((PATH_IDX_PAD,), jnp.int32).at[:PATH].set(pidx)
    part, nrows = _sc_gather_pool(ctx_pad, path_pad, context_table, node_table)
    bits_col = (jnp.zeros((PATH_PAD, 1), jnp.float32)
                .at[:PATH, 0].set(code_bits.astype(jnp.float32)))
    out = _loss_call(part, nrows, bits_col)
    return out[0, 0]

# --- scband reference (transcript-rebuilt; emitter-appended) ---
"""Pipeline reference for scband-cbowhierarchical-softmax-82454782148963 (READ-ONLY COPY).

The authoritative reference and input builder live on the scoring server;
editing this copy changes nothing except your own understanding.
"""

import jax, jax.numpy as jnp
import numpy as np

VOCAB = 1000000
EMBED = 64
CTX_LEN = 200
PATH_LEN = 20


def setup_inputs(seed: int = 0) -> dict:
    key = jax.random.key(seed)
    k1, k2, k3, k4, k5 = jax.random.split(key, 5)
    context_idx = jax.random.randint(k1, (CTX_LEN,), 0, VOCAB).astype(jnp.int64) if jax.config.jax_enable_x64 else jax.random.randint(k1, (CTX_LEN,), 0, VOCAB)
    path_indices = jax.random.randint(k2, (PATH_LEN,), 0, 2 * VOCAB)
    code_bits = jax.random.randint(k3, (PATH_LEN,), 0, 2).astype(jnp.int32)
    context_table = jax.random.normal(k4, (VOCAB, EMBED), dtype=jnp.float32) * 0.02
    node_table = jax.random.normal(k5, (2 * VOCAB, EMBED), dtype=jnp.float32) * 0.02
    return {
        "context_idx": context_idx,
        "path_indices": path_indices,
        "code_bits": code_bits,
        "context_table": context_table,
        "node_table": node_table,
    }


def reference(context_idx, path_indices, code_bits, context_table, node_table):
    # embeds = self.context_embeddings(context_idx)
    embeds = jnp.take(context_table, context_idx, axis=0)  # [CTX_LEN, EMBED]
    # h = embeds.mean(dim=0).unsqueeze(0)
    h = jnp.mean(embeds, axis=0)[None, :]  # [1, EMBED]
    # node_embeds = self.node_embeddings(path_tensor)
    node_embeds = jnp.take(node_table, path_indices, axis=0)  # [PATH_LEN, EMBED]
    # scores = sigmoid(h @ node_embeds.T).squeeze()
    scores = jax.nn.sigmoid(jnp.matmul(h, node_embeds.T)).squeeze()  # [PATH_LEN]
    eps = 1e-09
    bits = code_bits.astype(jnp.float32)
    # vectorized form of: loss += -log(score+eps) if bit=='1' else -log(1-score+eps)
    loss = jnp.sum(-bits * jnp.log(scores + eps) - (1.0 - bits) * jnp.log(1.0 - scores + eps))
    return loss

if __name__ == "__main__":
    import jax
    _d = setup_inputs()
    print(jax.jit(kernel)(*tuple(_d.values())))

</pallas_src>

<mosaic_0001>
#map = affine_map<(d0, d1) -> (0)>
#map1 = affine_map<(d0, d1) -> (0, 0)>
module attributes {stable_mosaic.version = 14 : i64} {
  func.func @_sc_gather_pool(%arg0: i32, %arg1: i32, %arg2: memref<272xi32, #tpu.memory_space<hbm>>, %arg3: memref<48xi32, #tpu.memory_space<hbm>>, %arg4: memref<1000000x64xf32, #tpu.memory_space<hbm>>, %arg5: memref<2000000x64xf32, #tpu.memory_space<hbm>>, %arg6: memref<32x64xf32, #tpu.memory_space<hbm>>, %arg7: memref<32x64xf32, #tpu.memory_space<hbm>>, %arg8: memref<272xi32, #tpu.memory_space<vmem>>, %arg9: memref<48xi32, #tpu.memory_space<vmem>>, %arg10: memref<7x64xf32, #tpu.memory_space<vmem>>, %arg11: memref<1x64xf32, #tpu.memory_space<vmem>>, %arg12: memref<1x64xf32, #tpu.memory_space<vmem>>, %arg13: memref<!tpu.dma_semaphore, #tpu.memory_space<semaphore_mem>>, %arg14: memref<!tpu.dma_semaphore, #tpu.memory_space<semaphore_mem>>) attributes {dimension_semantics = [#tpu.dimension_semantics<core_parallel>, #tpu.dimension_semantics<subcore_parallel>], iteration_bounds = array<i64: 2, 16>, scalar_prefetch = 0 : i64, scratch_operands = 7 : i64, tpu.core_type = #tpu.core_type<sc_vector_subcore>, window_params = [{transform_indices = #map}, {transform_indices = #map}, {transform_indices = #map1}, {transform_indices = #map1}, {transform_indices = #map1}, {transform_indices = #map1}]} {
    %mul3A = arith.constant 2 : i32
    %mul3A_0 = arith.muli %arg1, %mul3A : i32
    %add3A = arith.addi %mul3A_0, %arg0 : i32
    "tpu.region"() ({
      %run_scoped3A = tpu.sem_alloc : memref<!tpu.dma_semaphore, #tpu.memory_space<semaphore_mem>>
      tpu.enqueue_dma source(%arg2 : memref<272xi32, #tpu.memory_space<hbm>>) target(%arg8 : memref<272xi32, #tpu.memory_space<vmem>>) target_semaphore(%run_scoped3A : memref<!tpu.dma_semaphore, #tpu.memory_space<semaphore_mem>>)
      tpu.wait_dma2 semaphore(%run_scoped3A : memref<!tpu.dma_semaphore, #tpu.memory_space<semaphore_mem>>) src(%arg2 : memref<272xi32, #tpu.memory_space<hbm>>) dst(%arg8 : memref<272xi32, #tpu.memory_space<vmem>>)
      tpu.yield
    }) : () -> ()
    "tpu.region"() ({
      %run_scoped3A = tpu.sem_alloc : memref<!tpu.dma_semaphore, #tpu.memory_space<semaphore_mem>>
      tpu.enqueue_dma source(%arg3 : memref<48xi32, #tpu.memory_space<hbm>>) target(%arg9 : memref<48xi32, #tpu.memory_space<vmem>>) target_semaphore(%run_scoped3A : memref<!tpu.dma_semaphore, #tpu.memory_space<semaphore_mem>>)
      tpu.wait_dma2 semaphore(%run_scoped3A : memref<!tpu.dma_semaphore, #tpu.memory_space<semaphore_mem>>) src(%arg3 : memref<48xi32, #tpu.memory_space<hbm>>) dst(%arg9 : memref<48xi32, #tpu.memory_space<vmem>>)
      tpu.yield
    }) : () -> ()
    %get3A = arith.index_cast %add3A : i32 to index
    %get3A_1 = tpu.vector_load %arg9[%get3A] {strides = array<i32>} : memref<48xi32, #tpu.memory_space<vmem>>, vector<16xi32>,
    %get3A_2 = vector.shape_cast %get3A_1 : vector<16xi32> to vector<16xi32>
    %slice3A = vector.extract_strided_slice %get3A_2 {offsets = [0], sizes = [1], strides = [1]} : vector<16xi32> to vector<1xi32>
    %squeeze3A = vector.extract %slice3A[0] : i32 from vector<1xi32>
    %dma_start3A = arith.constant 0 : i32
    %dma_start3A_3 = tpu.memref_slice %arg5[%squeeze3A, %dma_start3A] : memref<2000000x64xf32, #tpu.memory_space<hbm>> -> memref<1x64xf32, #tpu.memory_space<hbm>>
    %dma_start3A_4 = arith.constant 0 : i32
    %dma_start3A_5 = tpu.memref_slice %arg5[%squeeze3A, %dma_start3A_4] : memref<2000000x64xf32, #tpu.memory_space<hbm>> -> memref<1x64xf32, #tpu.memory_space<hbm>>
    tpu.enqueue_dma source(%dma_start3A_5 : memref<1x64xf32, #tpu.memory_space<hbm>>) target(%arg12 : memref<1x64xf32, #tpu.memory_space<vmem>>) target_semaphore(%arg14 : memref<!tpu.dma_semaphore, #tpu.memory_space<semaphore_mem>>)
    %mul3A_6 = arith.constant 7 : i32
    %mul3A_7 = arith.muli %add3A, %mul3A_6 : i32
    %scan3A = arith.constant 0 : i32
    %scan3A_8 = arith.constant 0 : i32
    %scan3A_9 = arith.constant 7 : i32
    %scan3A_10 = arith.addi %scan3A_8, %scan3A_9 : i32
    %scan3A_11 = arith.constant 1 : i32
    %scan3A_12 = scf.for %scan3A_64 = %scan3A_8 to %scan3A_10 step %scan3A_11 iter_args(%scan3A_65 = %scan3A) -> (i32)  : i32 {
      %add3A_66 = arith.addi %mul3A_7, %scan3A_64 : i32
      %lt3A = arith.constant 200 : i32
      %lt3A_67 = arith.cmpi slt, %add3A_66, %lt3A : i32
      %convert_element_type3A = arith.extui %lt3A_67 : i1 to i32
      %cond3A = arith.constant 0 : i32
      %cond3A_68 = arith.cmpi ne, %convert_element_type3A, %cond3A : i32
      scf.if %cond3A_68 {
        %add3A_74 = arith.addi %mul3A_7, %scan3A_64 : i32
        %get3A_75 = arith.index_cast %add3A_74 : i32 to index
        %get3A_76 = tpu.vector_load %arg8[%get3A_75] {strides = array<i32>} : memref<272xi32, #tpu.memory_space<vmem>>, vector<16xi32>,
        %get3A_77 = vector.shape_cast %get3A_76 : vector<16xi32> to vector<16xi32>
        %slice3A_78 = vector.extract_strided_slice %get3A_77 {offsets = [0], sizes = [1], strides = [1]} : vector<16xi32> to vector<1xi32>
        %squeeze3A_79 = vector.extract %slice3A_78[0] : i32 from vector<1xi32>
        %dma_start3A_80 = arith.constant 0 : i32
        %dma_start3A_81 = tpu.memref_slice %arg10[%scan3A_64, %dma_start3A_80] : memref<7x64xf32, #tpu.memory_space<vmem>> -> memref<1x64xf32, #tpu.memory_space<vmem>>
        %dma_start3A_82 = arith.constant 0 : i32
        %dma_start3A_83 = tpu.memref_slice %arg4[%squeeze3A_79, %dma_start3A_82] : memref<1000000x64xf32, #tpu.memory_space<hbm>> -> memref<1x64xf32, #tpu.memory_space<hbm>>
        %dma_start3A_84 = arith.constant 0 : i32
        %dma_start3A_85 = tpu.memref_slice %arg10[%scan3A_64, %dma_start3A_84] : memref<7x64xf32, #tpu.memory_space<vmem>> -> memref<1x64xf32, #tpu.memory_space<vmem>>
        %dma_start3A_86 = arith.constant 0 : i32
        %dma_start3A_87 = tpu.memref_slice %arg4[%squeeze3A_79, %dma_start3A_86] : memref<1000000x64xf32, #tpu.memory_space<hbm>> -> memref<1x64xf32, #tpu.memory_space<hbm>>
        tpu.enqueue_dma source(%dma_start3A_87 : memref<1x64xf32, #tpu.memory_space<hbm>>) target(%dma_start3A_85 : memref<1x64xf32, #tpu.memory_space<vmem>>) target_semaphore(%arg13 : memref<!tpu.dma_semaphore, #tpu.memory_space<semaphore_mem>>)
      } else {
      }
      %add3A_69 = arith.addi %mul3A_7, %scan3A_64 : i32
      %lt3A_70 = arith.constant 200 : i32
      %lt3A_71 = arith.cmpi slt, %add3A_69, %lt3A_70 : i32
      %jit3A = arith.constant 1 : i32
      %jit3A_72 = arith.constant 0 : i32
      %select_n3A = arith.select %lt3A_71, %jit3A, %jit3A_72 : i32
      %add3A_73 = arith.addi %scan3A_65, %select_n3A : i32
      scf.yield %add3A_73 : i32
    }
    %scan3A_13 = arith.constant 7 : i32
    %while3A = arith.constant 0 : i32
    %while3A_14 = arith.constant 0 : i32
    %while3A_15 = arith.subi %scan3A_12, %while3A : i32
    %while3A_16 = arith.addi %while3A, %while3A_15 : i32
    %while3A_17 = arith.constant 1 : i32
    %while3A_18 = arith.divsi %while3A_15, %while3A_17 : i32
    %while3A_19 = arith.muli %while3A_18, %while3A_17 : i32
    %while3A_20 = arith.addi %while3A, %while3A_19 : i32
    %while3A_21 = arith.constant 1 : i32
    %while3A_22 = scf.for %while3A_64 = %while3A to %while3A_20 step %while3A_21 iter_args(%while3A_65 = %while3A_14) -> (i32)  : i32 {
      %dma_wait3A_66 = arith.constant 0 : i32
      %dma_wait3A_67 = arith.constant 0 : i32
      %dma_wait3A_68 = tpu.memref_slice %arg10[%dma_wait3A_66, %dma_wait3A_67] : memref<7x64xf32, #tpu.memory_space<vmem>> -> memref<1x64xf32, #tpu.memory_space<vmem>>
      %dma_wait3A_69 = arith.constant 0 : i32
      %dma_wait3A_70 = arith.constant 0 : i32
      %dma_wait3A_71 = tpu.memref_slice %arg4[%dma_wait3A_69, %dma_wait3A_70] : memref<1000000x64xf32, #tpu.memory_space<hbm>> -> memref<1x64xf32, #tpu.memory_space<hbm>>
      %dma_wait3A_72 = arith.constant 0 : i32
      %dma_wait3A_73 = arith.constant 0 : i32
      %dma_wait3A_74 = tpu.memref_slice %arg10[%dma_wait3A_72, %dma_wait3A_73] : memref<7x64xf32, #tpu.memory_space<vmem>> -> memref<1x64xf32, #tpu.memory_space<vmem>>
      %dma_wait3A_75 = arith.constant 0 : i32
      %dma_wait3A_76 = arith.constant 0 : i32
      %dma_wait3A_77 = tpu.memref_slice %arg4[%dma_wait3A_75, %dma_wait3A_76] : memref<1000000x64xf32, #tpu.memory_space<hbm>> -> memref<1x64xf32, #tpu.memory_space<hbm>>
      tpu.wait_dma2 semaphore(%arg13 : memref<!tpu.dma_semaphore, #tpu.memory_space<semaphore_mem>>) src(%dma_wait3A_77 : memref<1x64xf32, #tpu.memory_space<hbm>>) dst(%dma_wait3A_74 : memref<1x64xf32, #tpu.memory_space<vmem>>)
      %while3A_78 = arith.constant 0 : i32
      scf.yield %while3A_78 : i32
    }
    %while3A_23 = arith.constant 1 : i32
    %while3A_24 = scf.for %while3A_64 = %while3A_20 to %while3A_16 step %while3A_23 iter_args(%while3A_65 = %while3A_22) -> (i32)  : i32 {
      %dma_wait3A_66 = arith.constant 0 : i32
      %dma_wait3A_67 = arith.constant 0 : i32
      %dma_wait3A_68 = tpu.memref_slice %arg10[%dma_wait3A_66, %dma_wait3A_67] : memref<7x64xf32, #tpu.memory_space<vmem>> -> memref<1x64xf32, #tpu.memory_space<vmem>>
      %dma_wait3A_69 = arith.constant 0 : i32
      %dma_wait3A_70 = arith.constant 0 : i32
      %dma_wait3A_71 = tpu.memref_slice %arg4[%dma_wait3A_69, %dma_wait3A_70] : memref<1000000x64xf32, #tpu.memory_space<hbm>> -> memref<1x64xf32, #tpu.memory_space<hbm>>
      %dma_wait3A_72 = arith.constant 0 : i32
      %dma_wait3A_73 = arith.constant 0 : i32
      %dma_wait3A_74 = tpu.memref_slice %arg10[%dma_wait3A_72, %dma_wait3A_73] : memref<7x64xf32, #tpu.memory_space<vmem>> -> memref<1x64xf32, #tpu.memory_space<vmem>>
      %dma_wait3A_75 = arith.constant 0 : i32
      %dma_wait3A_76 = arith.constant 0 : i32
      %dma_wait3A_77 = tpu.memref_slice %arg4[%dma_wait3A_75, %dma_wait3A_76] : memref<1000000x64xf32, #tpu.memory_space<hbm>> -> memref<1x64xf32, #tpu.memory_space<hbm>>
      tpu.wait_dma2 semaphore(%arg13 : memref<!tpu.dma_semaphore, #tpu.memory_space<semaphore_mem>>) src(%dma_wait3A_77 : memref<1x64xf32, #tpu.memory_space<hbm>>) dst(%dma_wait3A_74 : memref<1x64xf32, #tpu.memory_space<vmem>>)
      %while3A_78 = arith.constant 0 : i32
      scf.yield %while3A_78 : i32
    }
    %dma_wait3A = arith.constant 0 : i32
    %dma_wait3A_25 = tpu.memref_slice %arg5[%squeeze3A, %dma_wait3A] : memref<2000000x64xf32, #tpu.memory_space<hbm>> -> memref<1x64xf32, #tpu.memory_space<hbm>>
    %dma_wait3A_26 = arith.constant 0 : i32
    %dma_wait3A_27 = tpu.memref_slice %arg5[%squeeze3A, %dma_wait3A_26] : memref<2000000x64xf32, #tpu.memory_space<hbm>> -> memref<1x64xf32, #tpu.memory_space<hbm>>
    tpu.wait_dma2 semaphore(%arg14 : memref<!tpu.dma_semaphore, #tpu.memory_space<semaphore_mem>>) src(%dma_wait3A_27 : memref<1x64xf32, #tpu.memory_space<hbm>>) dst(%arg12 : memref<1x64xf32, #tpu.memory_space<vmem>>)
    %broadcast_in_dim3A = arith.constant 0.000000e+00 : f32
    %broadcast_in_dim3A_28 = vector.broadcast %broadcast_in_dim3A : f32 to vector<16xf32>
    %broadcast_in_dim3A_29 = arith.constant 0.000000e+00 : f32
    %broadcast_in_dim3A_30 = vector.broadcast %broadcast_in_dim3A_29 : f32 to vector<16xf32>
    %broadcast_in_dim3A_31 = arith.constant 0.000000e+00 : f32
    %broadcast_in_dim3A_32 = vector.broadcast %broadcast_in_dim3A_31 : f32 to vector<16xf32>
    %broadcast_in_dim3A_33 = arith.constant 0.000000e+00 : f32
    %broadcast_in_dim3A_34 = vector.broadcast %broadcast_in_dim3A_33 : f32 to vector<16xf32>
    %scan3A_35 = arith.constant 0 : i32
    %scan3A_36 = arith.constant 7 : i32
    %scan3A_37 = arith.addi %scan3A_35, %scan3A_36 : i32
    %scan3A_38 = arith.constant 1 : i32
    %scan3A_39:4 = scf.for %scan3A_64 = %scan3A_35 to %scan3A_37 step %scan3A_38 iter_args(%scan3A_65 = %broadcast_in_dim3A_28, %scan3A_66 = %broadcast_in_dim3A_30, %scan3A_67 = %broadcast_in_dim3A_32, %scan3A_68 = %broadcast_in_dim3A_34) -> (vector<16xf32>, vector<16xf32>, vector<16xf32>, vector<16xf32>)  : i32 {
      %add3A_69 = arith.addi %mul3A_7, %scan3A_64 : i32
      %lt3A = arith.constant 200 : i32
      %lt3A_70 = arith.cmpi slt, %add3A_69, %lt3A : i32
      %get3A_71 = arith.index_cast %scan3A_64 : i32 to index
      %get3A_72 = arith.constant 0 : index
      %get3A_73 = tpu.vector_load %arg10[%get3A_71, %get3A_72] {strides = array<i32>} : memref<7x64xf32, #tpu.memory_space<vmem>>, vector<1x16xf32>,
      %get3A_74 = vector.shape_cast %get3A_73 : vector<1x16xf32> to vector<16xf32>
      %jit3A = arith.constant 0.000000e+00 : f32
      %broadcast_in_dim3A_75 = vector.broadcast %jit3A : f32 to vector<16xf32>
      %select_n3A = arith.select %lt3A_70, %get3A_74, %broadcast_in_dim3A_75 : vector<16xf32>
      %add3A_76 = arith.addf %scan3A_65, %select_n3A : vector<16xf32>
      %get3A_77 = arith.index_cast %scan3A_64 : i32 to index
      %get3A_78 = arith.constant 16 : index
      %get3A_79 = tpu.vector_load %arg10[%get3A_77, %get3A_78] {strides = array<i32>} : memref<7x64xf32, #tpu.memory_space<vmem>>, vector<1x16xf32>,
      %get3A_80 = vector.shape_cast %get3A_79 : vector<1x16xf32> to vector<16xf32>
      %jit3A_81 = arith.constant 0.000000e+00 : f32
      %broadcast_in_dim3A_82 = vector.broadcast %jit3A_81 : f32 to vector<16xf32>
      %select_n3A_83 = arith.select %lt3A_70, %get3A_80, %broadcast_in_dim3A_82 : vector<16xf32>
      %add3A_84 = arith.addf %scan3A_66, %select_n3A_83 : vector<16xf32>
      %get3A_85 = arith.index_cast %scan3A_64 : i32 to index
      %get3A_86 = arith.constant 32 : index
      %get3A_87 = tpu.vector_load %arg10[%get3A_85, %get3A_86] {strides = array<i32>} : memref<7x64xf32, #tpu.memory_space<vmem>>, vector<1x16xf32>,
      %get3A_88 = vector.shape_cast %get3A_87 : vector<1x16xf32> to vector<16xf32>
      %jit3A_89 = arith.constant 0.000000e+00 : f32
      %broadcast_in_dim3A_90 = vector.broadcast %jit3A_89 : f32 to vector<16xf32>
      %select_n3A_91 = arith.select %lt3A_70, %get3A_88, %broadcast_in_dim3A_90 : vector<16xf32>
      %add3A_92 = arith.addf %scan3A_67, %select_n3A_91 : vector<16xf32>
      %get3A_93 = arith.index_cast %scan3A_64 : i32 to index
      %get3A_94 = arith.constant 48 : index
      %get3A_95 = tpu.vector_load %arg10[%get3A_93, %get3A_94] {strides = array<i32>} : memref<7x64xf32, #tpu.memory_space<vmem>>, vector<1x16xf32>,
      %get3A_96 = vector.shape_cast %get3A_95 : vector<1x16xf32> to vector<16xf32>
      %jit3A_97 = arith.constant 0.000000e+00 : f32
      %broadcast_in_dim3A_98 = vector.broadcast %jit3A_97 : f32 to vector<16xf32>
      %select_n3A_99 = arith.select %lt3A_70, %get3A_96, %broadcast_in_dim3A_98 : vector<16xf32>
      %add3A_100 = arith.addf %scan3A_68, %select_n3A_99 : vector<16xf32>
      scf.yield %add3A_76, %add3A_84, %add3A_92, %add3A_100 : vector<16xf32>, vector<16xf32>, vector<16xf32>, vector<16xf32>
    }
    %scan3A_40 = arith.constant 7 : i32
    %swap3A = arith.constant 0 : i32
    %swap3A_41 = arith.index_cast %swap3A : i32 to index
    %swap3A_42 = arith.constant 0 : index
    %swap3A_43 = tpu.vector_load %arg11[%swap3A_41, %swap3A_42] {strides = array<i32>} : memref<1x64xf32, #tpu.memory_space<vmem>>, vector<1x16xf32>,
    %swap3A_44 = vector.shape_cast %swap3A_43 : vector<1x16xf32> to vector<16xf32>
    %swap3A_45 = vector.shape_cast %scan3A_39#0 : vector<16xf32> to vector<1x16xf32>
    tpu.vector_store %arg11[%swap3A_41, %swap3A_42], %swap3A_45 {strides = array<i32>} : memref<1x64xf32, #tpu.memory_space<vmem>>, vector<1x16xf32>,
    %swap3A_46 = arith.constant 0 : i32
    %swap3A_47 = arith.index_cast %swap3A_46 : i32 to index
    %swap3A_48 = arith.constant 16 : index
    %swap3A_49 = tpu.vector_load %arg11[%swap3A_47, %swap3A_48] {strides = array<i32>} : memref<1x64xf32, #tpu.memory_space<vmem>>, vector<1x16xf32>,
    %swap3A_50 = vector.shape_cast %swap3A_49 : vector<1x16xf32> to vector<16xf32>
    %swap3A_51 = vector.shape_cast %scan3A_39#1 : vector<16xf32> to vector<1x16xf32>
    tpu.vector_store %arg11[%swap3A_47, %swap3A_48], %swap3A_51 {strides = array<i32>} : memref<1x64xf32, #tpu.memory_space<vmem>>, vector<1x16xf32>,
    %swap3A_52 = arith.constant 0 : i32
    %swap3A_53 = arith.index_cast %swap3A_52 : i32 to index
    %swap3A_54 = arith.constant 32 : index
    %swap3A_55 = tpu.vector_load %arg11[%swap3A_53, %swap3A_54] {strides = array<i32>} : memref<1x64xf32, #tpu.memory_space<vmem>>, vector<1x16xf32>,
    %swap3A_56 = vector.shape_cast %swap3A_55 : vector<1x16xf32> to vector<16xf32>
    %swap3A_57 = vector.shape_cast %scan3A_39#2 : vector<16xf32> to vector<1x16xf32>
    tpu.vector_store %arg11[%swap3A_53, %swap3A_54], %swap3A_57 {strides = array<i32>} : memref<1x64xf32, #tpu.memory_space<vmem>>, vector<1x16xf32>,
    %swap3A_58 = arith.constant 0 : i32
    %swap3A_59 = arith.index_cast %swap3A_58 : i32 to index
    %swap3A_60 = arith.constant 48 : index
    %swap3A_61 = tpu.vector_load %arg11[%swap3A_59, %swap3A_60] {strides = array<i32>} : memref<1x64xf32, #tpu.memory_space<vmem>>, vector<1x16xf32>,
    %swap3A_62 = vector.shape_cast %swap3A_61 : vector<1x16xf32> to vector<16xf32>
    %swap3A_63 = vector.shape_cast %scan3A_39#3 : vector<16xf32> to vector<1x16xf32>
    tpu.vector_store %arg11[%swap3A_59, %swap3A_60], %swap3A_63 {strides = array<i32>} : memref<1x64xf32, #tpu.memory_space<vmem>>, vector<1x16xf32>,
    "tpu.region"() ({
      %run_scoped3A = tpu.sem_alloc : memref<!tpu.dma_semaphore, #tpu.memory_space<semaphore_mem>>
      %dma_start3A_64 = arith.constant 0 : i32
      %dma_start3A_65 = tpu.memref_slice %arg6[%add3A, %dma_start3A_64] : memref<32x64xf32, #tpu.memory_space<hbm>> -> memref<1x64xf32, #tpu.memory_space<hbm>>
      %dma_start3A_66 = arith.constant 0 : i32
      %dma_start3A_67 = tpu.memref_slice %arg6[%add3A, %dma_start3A_66] : memref<32x64xf32, #tpu.memory_space<hbm>> -> memref<1x64xf32, #tpu.memory_space<hbm>>
      tpu.enqueue_dma source(%arg11 : memref<1x64xf32, #tpu.memory_space<vmem>>) target(%dma_start3A_67 : memref<1x64xf32, #tpu.memory_space<hbm>>) target_semaphore(%run_scoped3A : memref<!tpu.dma_semaphore, #tpu.memory_space<semaphore_mem>>)
      %dma_wait3A_68 = arith.constant 0 : i32
      %dma_wait3A_69 = tpu.memref_slice %arg6[%add3A, %dma_wait3A_68] : memref<32x64xf32, #tpu.memory_space<hbm>> -> memref<1x64xf32, #tpu.memory_space<hbm>>
      %dma_wait3A_70 = arith.constant 0 : i32
      %dma_wait3A_71 = tpu.memref_slice %arg6[%add3A, %dma_wait3A_70] : memref<32x64xf32, #tpu.memory_space<hbm>> -> memref<1x64xf32, #tpu.memory_space<hbm>>
      tpu.wait_dma2 semaphore(%run_scoped3A : memref<!tpu.dma_semaphore, #tpu.memory_space<semaphore_mem>>) src(%arg11 : memref<1x64xf32, #tpu.memory_space<vmem>>) dst(%dma_wait3A_71 : memref<1x64xf32, #tpu.memory_space<hbm>>)
      tpu.yield
    }) : () -> ()
    "tpu.region"() ({
      %run_scoped3A = tpu.sem_alloc : memref<!tpu.dma_semaphore, #tpu.memory_space<semaphore_mem>>
      %dma_start3A_64 = arith.constant 0 : i32
      %dma_start3A_65 = tpu.memref_slice %arg7[%add3A, %dma_start3A_64] : memref<32x64xf32, #tpu.memory_space<hbm>> -> memref<1x64xf32, #tpu.memory_space<hbm>>
      %dma_start3A_66 = arith.constant 0 : i32
      %dma_start3A_67 = tpu.memref_slice %arg7[%add3A, %dma_start3A_66] : memref<32x64xf32, #tpu.memory_space<hbm>> -> memref<1x64xf32, #tpu.memory_space<hbm>>
      tpu.enqueue_dma source(%arg12 : memref<1x64xf32, #tpu.memory_space<vmem>>) target(%dma_start3A_67 : memref<1x64xf32, #tpu.memory_space<hbm>>) target_semaphore(%run_scoped3A : memref<!tpu.dma_semaphore, #tpu.memory_space<semaphore_mem>>)
      %dma_wait3A_68 = arith.constant 0 : i32
      %dma_wait3A_69 = tpu.memref_slice %arg7[%add3A, %dma_wait3A_68] : memref<32x64xf32, #tpu.memory_space<hbm>> -> memref<1x64xf32, #tpu.memory_space<hbm>>
      %dma_wait3A_70 = arith.constant 0 : i32
      %dma_wait3A_71 = tpu.memref_slice %arg7[%add3A, %dma_wait3A_70] : memref<32x64xf32, #tpu.memory_space<hbm>> -> memref<1x64xf32, #tpu.memory_space<hbm>>
      tpu.wait_dma2 semaphore(%run_scoped3A : memref<!tpu.dma_semaphore, #tpu.memory_space<semaphore_mem>>) src(%arg12 : memref<1x64xf32, #tpu.memory_space<vmem>>) dst(%dma_wait3A_71 : memref<1x64xf32, #tpu.memory_space<hbm>>)
      tpu.yield
    }) : () -> ()
    return
  }
}

module attributes {stable_mosaic.version = 14 : i64} {
  func.func @_loss_body(%arg0: memref<32x64xf32, #tpu.memory_space<vmem>>, %arg1: memref<32x64xf32, #tpu.memory_space<vmem>>, %arg2: memref<32x1xf32, #tpu.memory_space<vmem>>, %arg3: memref<1x1xf32, #tpu.memory_space<smem>>) attributes {dimension_semantics = [], scalar_prefetch = 0 : i64, scratch_operands = 0 : i64, tpu.core_type = #tpu.core_type<tc>} {
    %get3A = arith.constant 0 : index
    %get3A_0 = arith.constant 0 : index
    %get3A_1 = vector.load %arg0[%get3A, %get3A_0] : memref<32x64xf32, #tpu.memory_space<vmem>>, vector<32x64xf32>
    %reduce_sum3A = arith.constant dense<0.000000e+00> : vector<64xf32>
    %reduce_sum3A_2 = vector.multi_reduction <add>, %get3A_1, %reduce_sum3A [0] : vector<32x64xf32> to vector<64xf32>
    %broadcast_in_dim3A = vector.shape_cast %reduce_sum3A_2 : vector<64xf32> to vector<1x64xf32>
    %mul3A = arith.constant 5.000000e-03 : f32
    %mul3A_3 = vector.broadcast %mul3A : f32 to vector<1x64xf32>
    %mul3A_4 = arith.mulf %broadcast_in_dim3A, %mul3A_3 : vector<1x64xf32>
    %get3A_5 = arith.constant 0 : index
    %get3A_6 = arith.constant 0 : index
    %get3A_7 = vector.load %arg1[%get3A_5, %get3A_6] : memref<32x64xf32, #tpu.memory_space<vmem>>, vector<32x64xf32>
    %get3A_8 = arith.constant 0 : index
    %get3A_9 = arith.constant 0 : index
    %get3A_10 = vector.load %arg2[%get3A_8, %get3A_9] : memref<32x1xf32, #tpu.memory_space<vmem>>, vector<32x1xf32>
    %mul3A_11 = vector.broadcast %mul3A_4 : vector<1x64xf32> to vector<32x64xf32>
    %mul3A_12 = arith.mulf %get3A_7, %mul3A_11 : vector<32x64xf32>
    %reduce_sum3A_13 = arith.constant dense<0.000000e+00> : vector<32xf32>
    %reduce_sum3A_14 = vector.multi_reduction <add>, %mul3A_12, %reduce_sum3A_13 [1] : vector<32x64xf32> to vector<32xf32>
    %broadcast_in_dim3A_15 = vector.shape_cast %reduce_sum3A_14 : vector<32xf32> to vector<32x1xf32>
    %logistic3A = arith.negf %broadcast_in_dim3A_15 : vector<32x1xf32>
    %logistic3A_16 = math.exp %logistic3A : vector<32x1xf32>
    %logistic3A_17 = arith.constant 1.000000e+00 : f32
    %logistic3A_18 = vector.broadcast %logistic3A_17 : f32 to vector<32x1xf32>
    %logistic3A_19 = arith.addf %logistic3A_18, %logistic3A_16 : vector<32x1xf32>
    %logistic3A_20 = arith.divf %logistic3A_18, %logistic3A_19 : vector<32x1xf32>
    %neg3A = arith.constant 0.000000e+00 : f32
    %neg3A_21 = vector.broadcast %neg3A : f32 to vector<32x1xf32>
    %neg3A_22 = arith.subf %neg3A_21, %get3A_10 : vector<32x1xf32>
    %add3A = arith.constant 9.99999971E-10 : f32
    %add3A_23 = vector.broadcast %add3A : f32 to vector<32x1xf32>
    %add3A_24 = arith.addf %logistic3A_20, %add3A_23 : vector<32x1xf32>
    %log3A = math.log %add3A_24 : vector<32x1xf32>
    %mul3A_25 = arith.mulf %neg3A_22, %log3A : vector<32x1xf32>
    %sub3A = arith.constant 1.000000e+00 : f32
    %sub3A_26 = vector.broadcast %sub3A : f32 to vector<32x1xf32>
    %sub3A_27 = arith.subf %sub3A_26, %get3A_10 : vector<32x1xf32>
    %sub3A_28 = arith.constant 1.000000e+00 : f32
    %sub3A_29 = vector.broadcast %sub3A_28 : f32 to vector<32x1xf32>
    %sub3A_30 = arith.subf %sub3A_29, %logistic3A_20 : vector<32x1xf32>
    %add3A_31 = arith.constant 9.99999971E-10 : f32
    %add3A_32 = vector.broadcast %add3A_31 : f32 to vector<32x1xf32>
    %add3A_33 = arith.addf %sub3A_30, %add3A_32 : vector<32x1xf32>
    %log3A_34 = math.log %add3A_33 : vector<32x1xf32>
    %mul3A_35 = arith.mulf %sub3A_27, %log3A_34 : vector<32x1xf32>
    %sub3A_36 = arith.subf %mul3A_25, %mul3A_35 : vector<32x1xf32>
    %iota3A = tpu.iota {dimensions = array<i32: 0>} : vector<32x1xi32>
    %lt3A = arith.constant 20 : i32
    %lt3A_37 = vector.broadcast %lt3A : i32 to vector<32x1xi32>
    %lt3A_38 = arith.cmpi slt, %iota3A, %lt3A_37 : vector<32x1xi32>
    %jit3A = arith.constant 0.000000e+00 : f32
    %broadcast_in_dim3A_39 = vector.broadcast %jit3A : f32 to vector<32x1xf32>
    %select_n3A = arith.select %lt3A_38, %sub3A_36, %broadcast_in_dim3A_39 : vector<32x1xi1>, vector<32x1xf32>
    %reduce_sum3A_40 = vector.shape_cast %select_n3A : vector<32x1xf32> to vector<1x32x1xf32>
    %reduce_sum3A_41 = arith.constant dense<0.000000e+00> : vector<1xf32>
    %reduce_sum3A_42 = vector.multi_reduction <add>, %reduce_sum3A_40, %reduce_sum3A_41 [1, 2] : vector<1x32x1xf32> to vector<1xf32>
    %reduce_sum3A_43 = vector.shape_cast %reduce_sum3A_42 : vector<1xf32> to vector<1x1x1xf32>
    %reduce_sum3A_44 = vector.extract %reduce_sum3A_43[0, 0, 0] : f32 from vector<1x1x1xf32>
    %swap3A = arith.constant 0 : index
    %swap3A_45 = arith.constant 0 : index
    %swap3A_46 = memref.load %arg3[%swap3A, %swap3A_45] : memref<1x1xf32, #tpu.memory_space<smem>>
    memref.store %reduce_sum3A_44, %arg3[%swap3A, %swap3A_45] : memref<1x1xf32, #tpu.memory_space<smem>>
    return
  }
}

</mosaic_0001>

<sc_bundles>
// kernel: kernel.4.cloned.1.call-start
scs
__scs_entry_jumppad:
0x0: {  	(pc) =	sbr.rel $0x88, $3  }
0x1: {  	(tag) =	ssettag $0x0;
	lr =	simm.s32 $0x1  }
0x2: {  	[smem:$0x3F9C] =	sst lr;
	_ =	strace $0xD0000000  }
0x3: {  	_ = 	snop  }
0x4: {  	_ = 	snop  }
0x5: {  	_ = 	snop  }
0x6: {  	_ = 	snop  }
0x7: {  	_ = 	snop  }
__scs_overlays_trampoline_lowered:
0x8: {  	[smem:$0x3FAB] =	sst s0  }
0x9: {  	[smem:$0x3FAC] =	sst s1  }
0xa: {  	[smem:$0x3FAD] =	sst s2  }
0xb: {  	[smem:$0x3FAE] =	sst s3  }
0xc: {  	[smem:$0x3FAF] =	sst s4  }
0xd: {  	[smem:$0x3FB0] =	sst s5  }
0xe: {  	[smem:$0x3FB1] =	sst s6  }
0xf: {  	[smem:$0x3FB2] =	sst s7  }
0x10: {  	[smem:$0x3FB3] =	sst s8  }
0x11: {  	[smem:$0x3FB4] =	sst s9;
	s0 =	simm.s32 @!p0 $0x0  }
0x12: {  	s1 =	sld [smem:$0x3F9A];
	s0 =	simm.s32 @p0 $0x1  }
0x13: {  	[smem:$0x3FB5] =	sst s0;
	s0 =	simm.s32 @!p1 $0x0  }
0x14: {  	s2 =	sld [smem:$0x3F99];
	s0 =	simm.s32 @p1 $0x1  }
0x15: {  	[smem:$0x3FB6] =	sst s0;
	s0 =	simm.s32 @!p2 $0x0  }
0x16: {  	s3 =	sld [smem:$0x3FDB];
	s0 =	simm.s32 @p2 $0x1  }
0x17: {  	s4 =	simm.s32 $0x1BF5;
	[smem:$0x3FB8] =	sst s0  }
0x18: {  	s0 =	sld [smem:$0x3F9B];
	_ =	swait.ge [sflag:s4], $0x0  }
0x19: {  	s7 =	sld [smem:$0x3F9C]  }
0x1a: {  	s8 =	sadd.s32 $0xFFFFE003, lr  }
0x1b: {  	s9 =	sadd.s32 $0xFFFFFEF7, lr;
	s5 =	simm.s32 $0xFFFFFFFF;
	p2 =	slt.u32 s8, $0xFFFFF086  }
0x1c: {  	p1 =	slt.u32 s9, $0xF7A;
	s5 =	simm.s32 @!p2 $0x0  }
0x1d: {  	s5 =	simm.s32 @p1 $0x1;
	p0 =	seq.s32 s7, s2  }
0x1e: {  	s7 =	smul.u32 @!p0 $0xF7A, s2;
	p2 =	seq.s32 @!p0 s5, $0x0  }
0x1f: {  	s9 =	smul.u32 $0xF7A, s1;
	s8 =	simm.s32 @!p0 $0x1BF5;
	p2 =	por !p2, p0  }
0x20: {  	[sflag:s8] =	ssyncset.s32 @!p0 $0xFFFFF086;
	s6 =	sadd.s32 @!p0 s3, s7;
	s7 =	simm.s32 @!p0 $0x108  }
0x21: {  	s3 =	sadd.s32 s3, s9;
	s6 =	sadd.s32 @!p0 $0x88, s6;
	s7 =	simm.s32 @p2 $0x1082  }
0x22: {  	[simem:s7], [sflag:s8] =	dma.local @!p0 [hbm:s6], $0xF7A  }
0x23: {  	s9 =	sor.u32 $0xD0000000, s2;
	s6 =	simm.s32 $0x108;
	_ =	swait.ge @!p0 [sflag:s8], $0x0  }
0x24: {  	s3 =	sadd.s32 $0x88, s3;
	s6 =	simm.s32 @!p1 $0x1082;
	[sflag:s4] =	ssyncset.s32 $0xFFFFF086  }
0x25: {  	[simem:s6], [sflag:s4] =	dma.local [hbm:s3], $0xF7A  }
0x26: {  	[smem:$0x3F9C] =	sst s1;
	(tag) =	ssettag s2;
	_ =	strace s9  }
0x27: {  	s1 =	sld [smem:$0x3FAC]  }
0x28: {  	s2 =	sld [smem:$0x3FAD]  }
0x29: {  	s4 =	sld [smem:$0x3FAF]  }
0x2a: {  	p0 =	seq.s32 s5, $0x0;
	s5 =	sld [smem:$0x3FB0]  }
0x2b: {  	s6 =	sld [smem:$0x3FB1]  }
0x2c: {  	s7 =	sld [smem:$0x3FB2]  }
0x2d: {  	s3 =	simm.s32 $0x108;
	s8 =	sld [smem:$0x3FB3]  }
0x2e: {  	s3 =	simm.s32 @!p0 $0x1082;
	s9 =	sld [smem:$0x3FB4]  }
0x2f: {  	lr =	sadd.s32 s0, s3;
	s0 =	sld [smem:$0x3FAB]  }
0x30: {  	s3 =	sld [smem:$0x3FAE]  }
0x31: {  	[smem:$0x3FB7] =	sst s10  }
0x32: {  	s10 =	sld [smem:$0x3FB5];
	_ =	sdelay $0x3  }
0x33: {  	p0 =	seq.s32 s10, $0x1;
	s10 =	sld [smem:$0x3FB7];
	_ =	sdelay $0x3  }
0x34: {  	[smem:$0x3FB7] =	sst s10  }
0x35: {  	s10 =	sld [smem:$0x3FB6];
	_ =	sdelay $0x3  }
0x36: {  	p1 =	seq.s32 s10, $0x1;
	s10 =	sld [smem:$0x3FB7];
	_ =	sdelay $0x3  }
0x37: {  	[smem:$0x3FB7] =	sst s10  }
0x38: {  	s10 =	sld [smem:$0x3FB8]  }
0x39: {  	_ = 	snop;
	(pc) =	sbr.ind lr, $3  }
0x3a: {  	_ = 	snop  }
0x3b: {  	_ = 	snop  }
0x3c: {  	p2 =	seq.s32 s10, $0x1;
	s10 =	sld [smem:$0x3FB7]  }
0x3d: {  	_ =	shalt  }
0x3e: {  	_ =	shalt  }
0x3f: {  	_ =	shalt  }
0x40: {  	_ =	shalt  }
0x41: {  	_ =	shalt  }
0x42: {  	_ =	shalt  }
0x43: {  	_ =	shalt  }
0x44: {  	_ =	shalt  }
0x45: {  	_ =	shalt  }
0x46: {  	_ =	shalt  }
0x47: {  	_ =	shalt  }
0x48: {  	_ =	shalt  }
0x49: {  	_ =	shalt  }
0x4a: {  	_ =	shalt  }
0x4b: {  	_ =	shalt  }
0x4c: {  	_ =	shalt  }
0x4d: {  	_ =	shalt  }
0x4e: {  	_ =	shalt  }
0x4f: {  	_ =	shalt  }
0x50: {  	_ =	shalt  }
0x51: {  	_ =	shalt  }
0x52: {  	_ =	shalt  }
0x53: {  	_ =	shalt  }
0x54: {  	_ =	shalt  }
0x55: {  	_ =	shalt  }
0x56: {  	_ =	shalt  }
0x57: {  	_ =	shalt  }
0x58: {  	_ =	shalt  }
0x59: {  	_ =	shalt  }
0x5a: {  	_ =	shalt  }
0x5b: {  	_ =	shalt  }
0x5c: {  	_ =	shalt  }
0x5d: {  	_ =	shalt  }
0x5e: {  	_ =	shalt  }
0x5f: {  	_ =	shalt  }
0x60: {  	_ =	shalt  }
0x61: {  	_ =	shalt  }
0x62: {  	_ =	shalt  }
0x63: {  	_ =	shalt  }
0x64: {  	_ =	shalt  }
0x65: {  	_ =	shalt  }
0x66: {  	_ =	shalt  }
0x67: {  	_ =	shalt  }
0x68: {  	_ =	shalt  }
0x69: {  	_ =	shalt  }
0x6a: {  	_ =	shalt  }
0x6b: {  	_ =	shalt  }
0x6c: {  	_ =	shalt  }
0x6d: {  	_ =	shalt  }
0x6e: {  	_ =	shalt  }
0x6f: {  	_ =	shalt  }
0x70: {  	_ =	shalt  }
0x71: {  	_ =	shalt  }
0x72: {  	_ =	shalt  }
0x73: {  	_ =	shalt  }
0x74: {  	_ =	shalt  }
0x75: {  	_ =	shalt  }
0x76: {  	_ =	shalt  }
0x77: {  	_ =	shalt  }
0x78: {  	_ =	shalt  }
0x79: {  	_ =	shalt  }
0x7a: {  	_ =	shalt  }
0x7b: {  	_ =	shalt  }
0x7c: {  	_ =	shalt  }
0x7d: {  	_ =	shalt  }
0x7e: {  	_ =	shalt  }
0x7f: {  	_ =	shalt  }
0x80: {  	_ =	shalt  }
0x81: {  	_ =	shalt  }
0x82: {  	_ =	shalt  }
0x83: {  	_ =	shalt  }
0x84: {  	_ =	shalt  }
0x85: {  	_ =	shalt  }
0x86: {  	_ =	shalt  }
0x87: {  	_ =	shalt  }
.Lfunc_end0:
.L_simem_size_0:
called_computation_lowered:
.L_overlay_start_0:
0x88: {  	s2 =	sld [smem:$0x3FD9]  }
0x89: {  	s3 =	sld [smem:$0x3FFE];
	_ =	sdelay $0x1  }
0x8a: {  	s1 =	srdreg.scid  }
0x8b: {  	s0 =	sand.u32 $0x1, s1  }
0x8c: {  	s17 =	sshll.u32 s0, $0xA;
	s2 =	sadd.s32 s3, s2  }
0x8d: {  	s2 =	sadd.s32 s2, s17  }
0x8e: {  	[smem:$0x3FC3] =	sst s2  }
0x8f: {  	_ = 	snop  }
0x90: {  	s2 =	sld [smem:$0x3FD0];
	(tm) =	ssettm $0x1  }
0x91: {  	s18 =	sld [smem:$0x3FFB];
	_ =	sdelay $0x3  }
0x92: {  	_ =	strace s18  }
0x93: {  	s3 =	sld [smem:$0x3FFC];
	_ =	sdelay $0x3  }
0x94: {  	_ =	strace s3  }
0x95: {  	s3 =	sld [smem:$0x3FFD];
	_ =	sdelay $0x3  }
0x96: {  	_ =	strace s3  }
0x97: {  	_ =	strace $0x8FFFFFFF  }
0x98: {  	s19 =	sld [smem:$0x3FDB];
	_ =	sdelay $0x1  }
0x99: {  	s4 =	simm.s32 $_scs_section_size  }
0x9a: {  	s5 =	simm.s32 $_size__tile_overlayer_lowered;
	s6 =	simm.s32 $_tile_overlayer_lowered  }
0x9b: {  	s22 =	simm.s32 $0x1BFF;
	s21 =	sshll.u32 s6, $0x1;
	s3 =	sadd.s32 s4, s19  }
0x9c: {  	s7 =	simm.s32 $0x0;
	s20 =	sshll.u32 s5, $0x1;
	s5 =	sadd.s32 s21, s3  }
0x9d: {  	[timem:s7], [sflag:s22] =	dma.local [hbm:s5], s20  }
0x9e: {  	_ =	swait.ge [sflag:s22], s20  }
0x9f: {  	s4 =	ssub.s32 $0x0, s20;
	[sflag:s22] =	ssyncset.done $0x0  }
0xa0: {  	[sflag:s22] =	ssyncadd.s32 s4;
	_ =	sdelay $0x1  }
0xa1: {  	s23 =	simm.s32 $0x1B8B  }
0xa2: {  	_ =	swait.ge [sflag:s23], $0x1  }
0xa3: {  	[sflag:s23] =	ssyncset.done $0x0  }
0xa4: {  	s25 =	simm.s32 $0x1B8E;
	s24 =	sld [smem:$0x3FFE];
	[sflag:s23] =	ssyncadd.s32 $0xFFFFFFFF  }
0xa5: {  	s26 =	simm.s32 $execute0_lowered;
	[smem:$0x3FD2] =	sst s25  }
0xa6: {  	s5 =	sshll.u32 s26, $0x1;
	_ =	strace $0x80000046;
	[dreg:$0x1] =	wrdreg $0xFFFFFFFF  }
0xa7: {  	s28 =	simm.s32 $_size_execute0_lowered;
	s3 =	sadd.s32 s3, s5;
	[dreg:$0x0] =	wrdreg $0x0  }
0xa8: {  	s5 =	sshll.u32 s28, $0x1;
	[dreg:$0x2] =	wrdreg s3  }
0xa9: {  	[dreg:$0x3] =	wrdreg s5  }
0xaa: {  	[dreg:$0x4] =	wrdreg $0xC0  }
0xab: {  	_ =	task [dreg:s7], $0x5FFFF  }
0xac: {  	[dreg:$0x1] =	wrdreg $0xFFFFFFFF  }
0xad: {  	[dreg:$0x0] =	wrdreg $0x60  }
0xae: {  	[dreg:$0x2] =	wrdreg s24  }
0xaf: {  	[dreg:$0x3] =	wrdreg s2  }
0xb0: {  	[dreg:$0x4] =	wrdreg $0x9  }
0xb1: {  	_ =	task.clear_ibuf [dreg:s7], $0x5FFFF;
	_ =	strace $0x90000046  }
0xb2: {  	s29 =	simm.s32 $0x9;
	_ =	strace $0x80000048  }
0xb3: {  	_ =	swait.ge [sflag:s29], $0x1  }
0xb4: {  	[sflag:s29] =	ssyncadd.s32 $0xFFFFFFFF  }
0xb5: {  	_ =	strace $0x90000048  }
0xb6: {  	_ =	sfence  }
0xb7: {  	s30 =	sld [smem:$0x0];
	_ =	sdelay $0x2  }
0xb8: {  	s31 =	sshll.u32 s1, $0xD;
	s1 =	sshrl.u32 s1, $0x2  }
0xb9: {  	s3 =	sand.u32 $0x4000, s31;
	s1 =	sadd.s32 s1, s30  }
0xba: {  	s0 =	sor.u32 s3, s0;
	s1 =	sshll.u32 s1, $0x11  }
0xbb: {  	s0 =	sor.u32 s1, s0  }
0xbc: {  	s0 =	sadd.s32 $0x8F2B, s0  }
0xbd: {  	[sflag:s0] =	ssyncadd.remote.s32 $0x1  }
0xbe: {  	_ =	sfence.sel $0xFFFF  }
0xbf: {  	[dreg:$0x0] =	wrdreg $0xFFFFFFFF;
	(pc) =	sbr.abs _section_cstart, $3  }
0xc0: {  	[dreg:$0x1] =	wrdreg $0xFFFFFFFF  }
0xc1: {  	_ =	task.clear_ibuf [dreg:s7], $0x2FFFF;
	_ =	strace $0x9FFFFFFF  }
0xc2: {  	(tm) =	ssettm $0x7FFFFFFF  }
0xc3: {  	_ =	shalt  }
tec
execute0_lowered:
.L_overlay_start_1:
0x0: {  	(tag) =	ssettag $0x1  }
0x1: {  	s7 =	rddreg [dreg:$0x0]  }
0x2: {  	s2 =	rddreg [dreg:$0x1]  }
0x3: {  	s0 =	rddreg [dreg:$0x2]  }
0x4: {  	s3 =	simm.s32 $0x0;
	s4 =	srdreg.scid;
	s1 =	stileid.u32  }
0x5: {  	s13 =	simm.s32 $0x2;
	s14 =	simm.s32 $0x1;
	s15 =	simm.s32 $0x1  }
0x6: {  	s16 =	simm.s32 $0x1;
	s17 =	simm.s32 $0x3;
	s18 =	simm.s32 $0x180  }
0x7: {  	s19 =	simm.s32 $0x680;
	s20 =	simm.s32 $0x600;
	s21 =	simm.s32 $0x0  }
0x8: {  	[smem:$0x7FF] =	sst s3;
	s6 =	sand.u32 $0x1, s4;
	s30 =	sshll.u32 s1, $0x1  }
0x9: {  	s5 =	sadd.s32 $0x2DC7E00, s7;
	p1 =	slt.u32 s1, $0xE;
	p3 =	sgt.u32 s1, $0xD  }
0xa: {  	_ =	strace $0x80000047;
	s4 =	sor.u32 s6, s30;
	s9 =	ssub.s32 $0x2, s6  }
0xb: {  	s6 =	sadd.s32 $0x1E85A00, s7;
	s16 =	simm.s32 @!p1 $0x0;
	s8 =	sshll.u32 s4, $0x4  }
.Ltmp0:
0xc: {  	s31 =	sshrl.u32 s9, $0x1;
	p0 =	slt.u32 s4, $0x1D;
	(pc) =	sbr.rel .LBB2_1-.Ltmp0, $4  }
0xd: {  	s12 =	smul.u32 $0x1C, s4;
	p2 =	sgt.u32 s4, $0x1C;
	s10 =	sadd.s32 s8, s7  }
0xe: {  	s7 =	sadd.s32 $0x1200, s7;
	s11 =	ssub.s32 s9, s31;
	s8 =	sadd.s32 $0x2DC8000, s10  }
0xf: {  	s9 =	sadd.s32 $0x2DC8200, s10;
	s10 =	smax.u32 s11, $0x1;
	s11 =	simm.s32 $0x2  }
0x10: {  	s15 =	simm.s32 @!p0 $0x0;
	s12 =	sshrl.u32 s12, $0x2;
	s11 =	simm.s32 @!p1 $0x1  }
.LBB2_4:
0x11: {  	[sflag:s14] =	ssyncadd.s32 $0xFFFFFF80  }
.LBB2_5:
0x12: {  	_ =	swait.ge [sflag:s13], $0x80  }
0x13: {  	[sflag:s13] =	ssyncset.done $0x0  }
0x14: {  	[sflag:s13] =	ssyncadd.s32 $0xFFFFFF80  }
0x15: {  	v0 =	vld [tilespmem:$0x200]  }
0x16: {  	v1 =	vld [tilespmem:$0x210]  }
0x17: {  	v2 =	vld [tilespmem:$0x220]  }
0x18: {  	v3 =	vld [tilespmem:$0x230]  }
0x19: {  	v4 =	vld [tilespmem:$0x280]  }
0x1a: {  	v5 =	vld [tilespmem:$0x290]  }
0x1b: {  	v6 =	vld [tilespmem:$0x2A0]  }
0x1c: {  	v7 =	vld [tilespmem:$0x2B0]  }
0x1d: {  	v8 =	vld [tilespmem:$0x300]  }
0x1e: {  	v9 =	vld [tilespmem:$0x310]  }
0x1f: {  	v10 =	vld [tilespmem:$0x320]  }
0x20: {  	v11 =	vld [tilespmem:$0x330]  }
0x21: {  	v12 =	vld [tilespmem:$0x380]  }
0x22: {  	v13 =	vld [tilespmem:$0x390]  }
0x23: {  	v14 =	vld [tilespmem:$0x3A0]  }
0x24: {  	v16 =	vld [tilespmem:$0x400]  }
0x25: {  	v42 =	vld [tilespmem:$0x420]  }
0x26: {  	v43 =	vld [tilespmem:$0x430]  }
0x27: {  	v44 =	vld [tilespmem:$0x480];
	v0 =	vadd.f32 $0.0e+00, v0  }
0x28: {  	v45 =	vld [tilespmem:$0x490];
	v1 =	vadd.f32 $0.0e+00, v1;
	v2 =	vadd.f32 $0.0e+00, v2  }
0x29: {  	v46 =	vld [tilespmem:$0x4A0];
	v3 =	vadd.f32 $0.0e+00, v3;
	v0 =	vadd.f32 v4, v0  }
0x2a: {  	v41 =	vld [tilespmem:$0x410];
	v48 =	vpsel !p1, $0x0, v16;
	v51 =	vpsel !p1, $0x0, v42;
	v1 =	vadd.f32 v5, v1  }
0x2b: {  	v15 =	vld [tilespmem:$0x3B0];
	v52 =	vpsel !p1, $0x0, v43;
	v2 =	vadd.f32 v6, v2;
	v0 =	vadd.f32 v8, v0  }
0x2c: {  	v49 =	vld [tilespmem:$0x500];
	v54 =	vpsel !p1, $0x0, v44;
	v3 =	vadd.f32 v7, v3;
	v1 =	vadd.f32 v9, v1  }
0x2d: {  	v56 =	vpsel !p1, $0x0, v45;
	v2 =	vadd.f32 v10, v2;
	v0 =	vadd.f32 v12, v0  }
0x2e: {  	v47 =	vld [tilespmem:$0x4B0];
	v57 =	vpsel !p1, $0x0, v46;
	v3 =	vadd.f32 v11, v3;
	v1 =	vadd.f32 v13, v1  }
0x2f: {  	v50 =	vld [tilespmem:$0x510];
	v4 =	vpsel !p1, $0x0, v41;
	v2 =	vadd.f32 v14, v2;
	v0 =	vpsel !p0, $0x0, v0  }
0x30: {  	v53 =	vld [tilespmem:$0x520];
	v3 =	vadd.f32 v15, v3;
	v1 =	vpsel !p0, $0x0, v1;
	v0 =	vadd.f32 v48, v0  }
0x31: {  	v55 =	vld [tilespmem:$0x530];
	v58 =	vpsel !p1, $0x0, v49;
	v2 =	vpsel !p0, $0x0, v2;
	v1 =	vadd.f32 v4, v1  }
0x32: {  	v3 =	vpsel !p0, $0x0, v3;
	v2 =	vadd.f32 v51, v2;
	v0 =	vadd.f32 v54, v0  }
0x33: {  	v59 =	vpsel !p1, $0x0, v47;
	v3 =	vadd.f32 v52, v3;
	v1 =	vadd.f32 v56, v1  }
0x34: {  	v60 =	vpsel !p1, $0x0, v50;
	v2 =	vadd.f32 v57, v2;
	v0 =	vadd.f32 v58, v0  }
0x35: {  	v61 =	vpsel !p1, $0x0, v53;
	v3 =	vadd.f32 v59, v3;
	v1 =	vadd.f32 v60, v1  }
0x36: {  	v62 =	vpsel !p1, $0x0, v55;
	v2 =	vadd.f32 v61, v2;
	[tilespmem:$0x600] =	vst v0  }
0x37: {  	v63 =	vadd.f32 v62, v3;
	[tilespmem:$0x610] =	vst v1  }
0x38: {  	[tilespmem:$0x620] =	vst v2  }
0x39: {  	[tilespmem:$0x630] =	vst v63  }
0x3a: {  	[hbm4b:s8+s3] =	stream.linear.scatter [tilespmem:s20], [sflag:$0x3], $0x80, $0x38;
	[tilespmem:$0x700] =	vst v63  }
0x3b: {  	s21 =	sadd.s32 $0x1, s21;
	_ =	swait.ge [sflag:s17], $0x80  }
0x3c: {  	p4 =	sne.s32 s21, s10;
	[sflag:s17] =	ssyncset.done $0x0  }
.Ltmp1:
0x3d: {  	[sflag:s17] =	ssyncadd.s32 $0xFFFFFF80;
	(pc) =	sbr.rel @!p4 .LBB2_6-.Ltmp1, $4  }
0x3e: {  	[hbm4b:s9+s3] =	stream.linear.scatter [tilespmem:s19], [sflag:$0x3], $0x80, $0x38;
	[tilespmem:$0x700] =	vst v63  }
0x3f: {  	_ =	swait.ge [sflag:s17], $0x80  }
0x40: {  	[sflag:s17] =	ssyncset.done $0x0  }
0x41: {  	[sflag:s17] =	ssyncadd.s32 $0xFFFFFF80  }
.LBB2_1:
0x42: {  	[tilespmem:s3], [sflag:$0x3] =	stream.linear.gather [hbm4b:s5+s3], $0x180, $0x38;
	[tilespmem:$0x700] =	vst v63  }
0x43: {  	_ =	swait.ge [sflag:s17], $0x180  }
0x44: {  	[sflag:s17] =	ssyncset.done $0x0  }
0x45: {  	[sflag:s17] =	ssyncadd.s32 $0xFFFFFE80  }
0x46: {  	[tilespmem:s18], [sflag:$0x3] =	stream.linear.gather [hbm4b:s2+s3], $0x80, $0x38;
	[tilespmem:$0x700] =	vst v63  }
0x47: {  	_ =	swait.ge [sflag:s17], $0x80  }
0x48: {  	[sflag:s17] =	ssyncset.done $0x0  }
0x49: {  	[sflag:s17] =	ssyncadd.s32 $0xFFFFFF80  }
0x4a: {  	v0 =	vld [tilespmem:s4+$0x180];
	_ =	sdelay $0x4  }
0x4b: {  	(v2sf) =	vpush v0, $0x0;
	_ =	sdelay $0xe  }
0x4c: {  	s22 =	spop (v2sf)  }
0x4d: {  	s22 =	sshll.u32 s22, $0x4  }
0x4e: {  	s22 =	sand.u32 $0x1FFFFFF0, s22  }
0x4f: {  	s22 =	sadd.s32 s7, s22  }
0x50: {  	[tilespmem:s19], [sflag:$0x2] =	stream.linear.gather [hbm4b:s22+s3], $0x80, $0x38;
	[tilespmem:$0x700] =	vst v63  }
0x51: {  	v0 =	vld @!p2 [tilespmem:s12+$0x0];
	_ =	sdelay $0x4  }
0x52: {  	(v2sf) =	vpush @!p2 v0, $0x0;
	_ =	sdelay $0xe  }
0x53: {  	s22 =	spop @!p2 (v2sf)  }
0x54: {  	s22 =	sshll.u32 @!p2 s22, $0x4  }
0x55: {  	s22 =	sand.u32 @!p2 $0x1FFFFFF0, s22  }
0x56: {  	s23 =	simm.s32 @!p2 $0x0;
	s24 =	simm.s32 @!p2 $0x200;
	s22 =	sadd.s32 @!p2 s6, s22  }
0x57: {  	[tilespmem:s24], [sflag:$0x1] =	stream.linear.gather @!p2 [hbm4b:s22+s23], $0x80, $0x38;
	[tilespmem:$0x700] =	vst v63  }
0x58: {  	v0 =	vld @!p2 [tilespmem:s12+$0x1];
	_ =	sdelay $0x4  }
0x59: {  	(v2sf) =	vpush @!p2 v0, $0x0;
	_ =	sdelay $0xe  }
0x5a: {  	s22 =	spop @!p2 (v2sf)  }
0x5b: {  	s22 =	sshll.u32 @!p2 s22, $0x4  }
0x5c: {  	s22 =	sand.u32 @!p2 $0x1FFFFFF0, s22  }
0x5d: {  	s24 =	simm.s32 @!p2 $0x280;
	s22 =	sadd.s32 @!p2 s6, s22  }
0x5e: {  	[tilespmem:s24], [sflag:$0x1] =	stream.linear.gather @!p2 [hbm4b:s22+s23], $0x80, $0x38;
	[tilespmem:$0x700] =	vst v63  }
0x5f: {  	v0 =	vld @!p2 [tilespmem:s12+$0x2];
	_ =	sdelay $0x4  }
0x60: {  	(v2sf) =	vpush @!p2 v0, $0x0;
	_ =	sdelay $0xe  }
0x61: {  	s22 =	spop @!p2 (v2sf)  }
0x62: {  	s22 =	sshll.u32 @!p2 s22, $0x4  }
0x63: {  	s22 =	sand.u32 @!p2 $0x1FFFFFF0, s22  }
0x64: {  	s24 =	simm.s32 @!p2 $0x300;
	s22 =	sadd.s32 @!p2 s6, s22  }
0x65: {  	[tilespmem:s24], [sflag:$0x1] =	stream.linear.gather @!p2 [hbm4b:s22+s23], $0x80, $0x38;
	[tilespmem:$0x700] =	vst v63  }
0x66: {  	v0 =	vld @!p2 [tilespmem:s12+$0x3];
	_ =	sdelay $0x4  }
0x67: {  	(v2sf) =	vpush @!p2 v0, $0x0;
	_ =	sdelay $0xe  }
0x68: {  	s22 =	spop @!p2 (v2sf)  }
0x69: {  	s22 =	sshll.u32 @!p2 s22, $0x4  }
0x6a: {  	s22 =	sand.u32 @!p2 $0x1FFFFFF0, s22  }
0x6b: {  	s24 =	simm.s32 @!p2 $0x380;
	s22 =	sadd.s32 @!p2 s6, s22  }
0x6c: {  	[tilespmem:s24], [sflag:$0x1] =	stream.linear.gather @!p2 [hbm4b:s22+s23], $0x80, $0x38;
	[tilespmem:$0x700] =	vst v63  }
0x6d: {  	v0 =	vld @!p3 [tilespmem:s12+$0x4];
	_ =	sdelay $0x4  }
0x6e: {  	(v2sf) =	vpush @!p3 v0, $0x0;
	_ =	sdelay $0xe  }
0x6f: {  	s22 =	spop @!p3 (v2sf)  }
0x70: {  	s22 =	sshll.u32 @!p3 s22, $0x4  }
0x71: {  	s22 =	sand.u32 @!p3 $0x1FFFFFF0, s22  }
0x72: {  	s23 =	simm.s32 @!p3 $0x0;
	s24 =	simm.s32 @!p3 $0x400;
	s22 =	sadd.s32 @!p3 s6, s22  }
0x73: {  	[tilespmem:s24], [sflag:$0x1] =	stream.linear.gather @!p3 [hbm4b:s22+s23], $0x80, $0x38;
	[tilespmem:$0x700] =	vst v63  }
0x74: {  	v0 =	vld @!p3 [tilespmem:s12+$0x5];
	_ =	sdelay $0x4  }
0x75: {  	(v2sf) =	vpush @!p3 v0, $0x0;
	_ =	sdelay $0xe  }
0x76: {  	s22 =	spop @!p3 (v2sf)  }
0x77: {  	s22 =	sshll.u32 @!p3 s22, $0x4  }
0x78: {  	s22 =	sand.u32 @!p3 $0x1FFFFFF0, s22  }
0x79: {  	s24 =	simm.s32 @!p3 $0x480;
	s22 =	sadd.s32 @!p3 s6, s22  }
0x7a: {  	[tilespmem:s24], [sflag:$0x1] =	stream.linear.gather @!p3 [hbm4b:s22+s23], $0x80, $0x38;
	[tilespmem:$0x700] =	vst v63  }
0x7b: {  	v0 =	vld @!p3 [tilespmem:s12+$0x6];
	_ =	sdelay $0x4  }
0x7c: {  	(v2sf) =	vpush @!p3 v0, $0x0;
	_ =	sdelay $0x7  }
0x7d: {  	s22 =	simm.s32 @!p2 $0x3  }
0x7e: {  	s22 =	simm.s32 @p2 $0x0  }
0x7f: {  	s22 =	sadd.s32 s15, s22  }
0x80: {  	s25 =	sadd.s32 @!p3 s11, s22  }
0x81: {  	s25 =	smov.u32 @p3 s22  }
0x82: {  	s22 =	sadd.s32 s16, s25  }
0x83: {  	p4 =	seq.s32 s22, $0x0  }
.Ltmp2:
0x84: {  	s24 =	spop @!p3 (v2sf);
	(pc) =	sbr.rel @p4 .LBB2_5-.Ltmp2, $4  }
0x85: {  	s24 =	sshll.u32 @!p3 s24, $0x4  }
0x86: {  	s24 =	sand.u32 @!p3 $0x1FFFFFF0, s24  }
0x87: {  	s26 =	simm.s32 @!p3 $0x500;
	s24 =	sadd.s32 @!p3 s6, s24  }
0x88: {  	[tilespmem:s26], [sflag:$0x1] =	stream.linear.gather @!p3 [hbm4b:s24+s23], $0x80, $0x38;
	[tilespmem:$0x700] =	vst v63  }
0x89: {  	s23 =	sadd.s32 $0x1, s3  }
0x8a: {  	p4 =	slt.u32 s23, s22  }
.Ltmp3:
0x8b: {  	_ = 	snop;
	(pc) =	sbr.rel @!p4 .LBB2_4-.Ltmp3, $3  }
0x8c: {  	_ =	sdelay $0x1  }
0x8d: {  	_ =	swait.ge [sflag:s14], $0x80  }
0x8e: {  	[sflag:s14] =	ssyncset.done $0x0  }
.LBB2_3:
0x8f: {  	s23 =	sadd.s32 $0x1, s23  }
0x90: {  	[sflag:s14] =	ssyncadd.s32 $0xFFFFFF80;
	p4 =	slt.u32 s23, s22  }
.Ltmp4:
0x91: {  	(pc) =	sbr.rel @p4 .LBB2_3-.Ltmp4, $3  }
0x92: {  	_ =	sdelay $0x1  }
0x93: {  	_ =	swait.ge [sflag:s14], $0x80  }
0x94: {  	[sflag:s14] =	ssyncset.done $0x0  }
.Ltmp5:
0x95: {  	_ = 	snop;
	(pc) =	sbr.rel .LBB2_4-.Ltmp5, $1  }
0x96: {  	_ =	sdelay $0x3  }
.LBB2_6:
0x97: {  	_ =	sfence.sel $0x180000  }
0x98: {  	[bflag:$0x0] =	sbarrier.arrive $0xFFFF  }
0x99: {  	p0 =	sne.s32 s1, $0x0;
	_ =	strace $0x90000047  }
0x9a: {  	s0 =	sadd.s32 @!p0 $0x100000, s0;
	[bflag:$0x2] =	sbarrier.arrive $0xFFFF  }
0x9b: {  	[sflag:s0] =	ssyncadd.tile.s32 @!p0 $0x1;
	_ =	shalt  }
.Lfunc_end2:
_tile_overlayer_lowered:
.L_overlay_start_2:
0x9c: {  	(tag) =	ssettag $0x2  }
0x9d: {  	s0 =	rddreg [dreg:$0x0];
	s2 =	stileid.u32  }
0x9e: {  	s1 =	rddreg [dreg:$0x1];
	p0 =	sne.s32 s2, $0x0  }
0x9f: {  	s3 =	rddreg [dreg:$0x2];
	[bflag:$0x3] =	sbarrier.arrive $0xFFFF;
	s2 =	simm.s32 @!p0 $0x1C03  }
0xa0: {  	[timem:s3], [sflag:s2] =	dma.local @!p0 [hbm:s0], s1  }
0xa1: {  	s0 =	simm.s32 @!p0 $0x3  }
0xa2: {  	_ =	swait.ge @!p0 [sflag:s0], s1  }
0xa3: {  	s1 =	ssub.s32 @!p0 $0x0, s1;
	[sflag:s0] =	ssyncset.done @!p0 $0x0  }
0xa4: {  	[sflag:s0] =	ssyncadd.s32 @!p0 s1  }
0xa5: {  	[bflag:$0x3] =	sbarrier.arrive $0xFFFF  }
0xa6: {  	_ =	shalt  }

</sc_bundles>
